<compile_context>
chip_gen: v7x
topology: tpu7x:2x2x1
jax: 0.10.2.dev20260603
libtpu: 0.0.44.dev20260713+nightly
codegen_flags: <defaults>
</compile_context>

<pallas_src>
import functools

import jax
import jax.numpy as jnp
from jax import lax
from jax.experimental import pallas as pl
from jax.experimental.pallas import tpu as pltpu

_ALPHA = 1.702
_LIMIT = 7.0


def _moe_kernel(step_group, step_mtile, step_start, step_end, step_first,
                x_ref, guw_ref, gb_ref, ub_ref, dw_ref, db_ref,
                out_ref, *, bm):
    s = pl.program_id(0)
    x = x_ref[...]
    wp = guw_ref[0]
    gate_w = lax.bitcast_convert_type(wp << 16, jnp.float32).astype(x.dtype)
    up_w = lax.bitcast_convert_type(
        wp & jnp.int32(-65536), jnp.float32).astype(x.dtype)
    gate = jnp.dot(x, gate_w, preferred_element_type=jnp.float32)
    gate = gate + gb_ref[0, 0].astype(jnp.float32)
    up = jnp.dot(x, up_w, preferred_element_type=jnp.float32)
    up = up + ub_ref[0, 0].astype(jnp.float32)
    gate = jnp.minimum(gate, _LIMIT)
    up = jnp.clip(up, -_LIMIT, _LIMIT)
    glu = gate * jax.nn.sigmoid(gate * _ALPHA)
    inter = ((up + 1.0) * glu).astype(x.dtype)
    out = jnp.dot(inter, dw_ref[0], preferred_element_type=jnp.float32)
    out = out + db_ref[0, 0].astype(jnp.float32)
    row0 = step_mtile[s] * bm
    rows = row0 + lax.broadcasted_iota(jnp.int32, (bm, 1), 0)
    mask = (rows >= step_start[s]) & (rows < step_end[s])
    res = jnp.where(mask, out, 0.0).astype(out_ref.dtype)

    @pl.when(step_first[s] == 1)
    def _():
        out_ref[...] = res

    @pl.when(step_first[s] == 0)
    def _():
        out_ref[...] += res


def _grouped_ffn(x_sorted, gu_packed, gate_b, up_b, down_w,
                 down_b, group_sizes):
    R, H = x_sorted.shape
    E, FF, _ = down_w.shape
    bm = min(512, R)
    num_m = R // bm
    S = num_m + E - 1

    offsets = jnp.cumsum(group_sizes)
    starts = offsets - group_sizes
    first_tile = starts // bm
    last_tile = jnp.where(group_sizes > 0, (offsets - 1) // bm, 0)
    tiles_g = jnp.where(group_sizes > 0, last_tile - first_tile + 1, 0)
    cum_tiles = jnp.cumsum(tiles_g)
    s_arr = jnp.arange(S, dtype=jnp.int32)
    g = jnp.searchsorted(cum_tiles, s_arr, side='right').astype(jnp.int32)
    valid = g < E
    gc = jnp.minimum(g, E - 1)
    prev_cum = jnp.concatenate([jnp.zeros((1,), cum_tiles.dtype), cum_tiles])[gc]
    mtile = jnp.where(valid, first_tile[gc] + (s_arr - prev_cum), num_m - 1)
    step_start = jnp.where(valid, starts[gc], 0).astype(jnp.int32)
    step_end = jnp.where(valid, offsets[gc], 0).astype(jnp.int32)
    mtile = mtile.astype(jnp.int32)
    prev_mtile = jnp.concatenate([jnp.full((1,), -1, jnp.int32), mtile[:-1]])
    step_first = (mtile != prev_mtile).astype(jnp.int32)

    grid_spec = pltpu.PrefetchScalarGridSpec(
        num_scalar_prefetch=5,
        grid=(S,),
        in_specs=[
            pl.BlockSpec((bm, H), lambda s, sg, sm, sst, sen, sf: (sm[s], 0)),
            pl.BlockSpec((1, H, FF), lambda s, sg, sm, sst, sen, sf: (sg[s], 0, 0)),
            pl.BlockSpec((1, 1, FF), lambda s, sg, sm, sst, sen, sf: (sg[s], 0, 0)),
            pl.BlockSpec((1, 1, FF), lambda s, sg, sm, sst, sen, sf: (sg[s], 0, 0)),
            pl.BlockSpec((1, FF, H), lambda s, sg, sm, sst, sen, sf: (sg[s], 0, 0)),
            pl.BlockSpec((1, 1, H), lambda s, sg, sm, sst, sen, sf: (sg[s], 0, 0)),
        ],
        out_specs=pl.BlockSpec((bm, H), lambda s, sg, sm, sst, sen, sf: (sm[s], 0)),
    )
    return pl.pallas_call(
        functools.partial(_moe_kernel, bm=bm),
        grid_spec=grid_spec,
        out_shape=jax.ShapeDtypeStruct((R, H), jnp.bfloat16),
        compiler_params=pltpu.CompilerParams(
            dimension_semantics=("arbitrary",),
            vmem_limit_bytes=100 * 1024 * 1024,
        ),
    )(gc, mtile, step_start, step_end, step_first,
      x_sorted, gu_packed, gate_b[:, None, :], up_b[:, None, :],
      down_w, down_b[:, None, :])


def kernel(hidden_states, topk_weights, topk_ids, gate_up_proj,
           gate_up_proj_bias, down_proj, down_proj_bias):
    T, H = hidden_states.shape
    E, _, FF2 = gate_up_proj.shape
    top_k = topk_ids.shape[1]
    R = T * top_k

    flat = topk_ids.reshape(-1).astype(jnp.int32)

    oh = (flat[:, None] == jnp.arange(E, dtype=jnp.int32)[None, :]).astype(jnp.int32)
    csum = jnp.cumsum(oh, axis=0)
    rank = jnp.sum(csum * oh, axis=1) - 1
    group_sizes = csum[-1]
    offsets_excl = jnp.concatenate(
        [jnp.zeros((1,), jnp.int32), jnp.cumsum(group_sizes)[:-1]])
    dest = jnp.sum(oh * offsets_excl[None, :], axis=1) + rank

    hs_bf = hidden_states.astype(jnp.bfloat16)
    x_sorted = jnp.tile(hs_bf, (top_k, 1))

    FF = FF2 // 2
    gu_bf = gate_up_proj.astype(jnp.bfloat16)
    gu_packed = lax.bitcast_convert_type(
        gu_bf.reshape(E, H, FF2 // 2, 2), jnp.int32)
    gate_b = gate_up_proj_bias[:, 0::2]
    up_b = gate_up_proj_bias[:, 1::2]
    down_w = down_proj.astype(jnp.bfloat16)

    out_rows = _grouped_ffn(x_sorted, gu_packed, gate_b, up_b,
                            down_w, down_proj_bias, group_sizes)

    unsorted = out_rows.reshape(T, top_k, H).astype(jnp.float32)
    combined = jnp.einsum('tkh,tk->th', unsorted,
                          topk_weights.astype(jnp.float32))
    return combined.astype(hidden_states.dtype)

# --- scband reference (transcript-rebuilt; emitter-appended) ---
"""Pipeline reference for scband-gpt-oss-experts-90778428768673 (READ-ONLY COPY).

The authoritative reference and input builder live on the scoring server;
editing this copy changes nothing except your own understanding.
"""

import jax, jax.numpy as jnp
import numpy as np

T = 8192
HIDDEN = 2048
FF = 2048
E = 16
TOPK = 2
ALPHA = 1.702
LIMIT = 7.0


def setup_inputs(seed: int = 0) -> dict:
    key = jax.random.key(seed)
    ks = jax.random.split(key, 8)
    hidden_states = jax.random.normal(ks[0], (T, HIDDEN), dtype=jnp.float32)
    topk_weights = jax.random.uniform(ks[1], (T, TOPK), dtype=jnp.float32)
    topk_weights = topk_weights / jnp.sum(topk_weights, axis=-1, keepdims=True)
    topk_ids = jax.random.randint(ks[2], (T, TOPK), 0, E)
    gate_up_proj = jax.random.normal(ks[3], (E, HIDDEN, 2 * FF), dtype=jnp.float32) * 0.02
    gate_up_proj_bias = jax.random.normal(ks[4], (E, 2 * FF), dtype=jnp.float32) * 0.02
    down_proj = jax.random.normal(ks[5], (E, FF, HIDDEN), dtype=jnp.float32) * 0.02
    down_proj_bias = jax.random.normal(ks[6], (E, HIDDEN), dtype=jnp.float32) * 0.02
    return {
        'hidden_states': hidden_states,
        'topk_weights': topk_weights,
        'topk_ids': topk_ids,
        'gate_up_proj': gate_up_proj,
        'gate_up_proj_bias': gate_up_proj_bias,
        'down_proj': down_proj,
        'down_proj_bias': down_proj_bias,
    }


def _gmm(lhs, rhs, expert_ids):
    # grouped matmul: row i of lhs hits expert expert_ids[i]'s weight rhs[expert_ids[i]]
    def body(e, acc):
        out_e = lhs @ rhs[e]
        return jnp.where((expert_ids == e)[:, None], out_e, acc)
    init = jnp.zeros((lhs.shape[0], rhs.shape[2]), dtype=lhs.dtype)
    return jax.lax.fori_loop(0, rhs.shape[0], body, init)


def reference(hidden_states, topk_weights, topk_ids, gate_up_proj, gate_up_proj_bias, down_proj, down_proj_bias):
    top_k = topk_ids.shape[1]
    num_experts = gate_up_proj.shape[0]
    flat = jnp.ravel(topk_ids)
    sorted_sel = jnp.argsort(flat, stable=True)
    sorted_idx = sorted_sel // top_k
    sorted_inputs = jnp.take(hidden_states, sorted_idx, axis=0).astype(jnp.float32)
    expert_ids = jnp.take(flat, sorted_sel, axis=0)
    gate_up = _gmm(sorted_inputs, gate_up_proj, expert_ids)
    gate_up = gate_up + gate_up_proj_bias[expert_ids]
    gate = gate_up[..., ::2]
    up = gate_up[..., 1::2]
    gate = jnp.minimum(gate, LIMIT)
    up = jnp.clip(up, -LIMIT, LIMIT)
    glu = gate * jax.nn.sigmoid(gate * ALPHA)
    intermediate = (up + 1.0) * glu
    out = _gmm(intermediate, down_proj, expert_ids)
    out = out + down_proj_bias[expert_ids]
    argsort_idx = jnp.argsort(sorted_sel, stable=True)
    unsort_out = jnp.take(out, argsort_idx, axis=0)
    total_tokens = topk_weights.shape[0]
    reshaped_out = unsort_out.reshape(total_tokens, top_k, -1).astype(jnp.float32)
    combined = jnp.einsum('tke,tk->te', reshaped_out, topk_weights.astype(jnp.float32))
    return combined.astype(hidden_states.dtype)

if __name__ == "__main__":
    import jax
    _d = setup_inputs()
    print(jax.jit(kernel)(*tuple(_d.values())))

</pallas_src>

<mosaic_0001>
module attributes {stable_mosaic.version = 14 : i64} {
  func.func @_moe_kernel(%arg0: i32, %arg1: memref<47xi32, #tpu.memory_space<smem>>, %arg2: memref<47xi32, #tpu.memory_space<smem>>, %arg3: memref<47xi32, #tpu.memory_space<smem>>, %arg4: memref<47xi32, #tpu.memory_space<smem>>, %arg5: memref<47xi32, #tpu.memory_space<smem>>, %arg6: memref<512x2048xbf16, #tpu.memory_space<vmem>>, %arg7: memref<1x2048x2048xi32, #tpu.memory_space<vmem>>, %arg8: memref<1x1x2048xf32, #tpu.memory_space<vmem>>, %arg9: memref<1x1x2048xf32, #tpu.memory_space<vmem>>, %arg10: memref<1x2048x2048xbf16, #tpu.memory_space<vmem>>, %arg11: memref<1x1x2048xf32, #tpu.memory_space<vmem>>, %arg12: memref<512x2048xbf16, #tpu.memory_space<vmem>>) attributes {dimension_semantics = [#tpu.dimension_semantics<arbitrary>], iteration_bounds = array<i64: 47>, scalar_prefetch = 5 : i64, scratch_operands = 0 : i64, tpu.core_type = #tpu.core_type<tc>, window_params = [{transform_indices = @transform_0, window_bounds = array<i64: 512, 2048>}, {transform_indices = @transform_1, window_bounds = array<i64: 1, 2048, 2048>}, {transform_indices = @transform_2, window_bounds = array<i64: 1, 1, 2048>}, {transform_indices = @transform_3, window_bounds = array<i64: 1, 1, 2048>}, {transform_indices = @transform_4, window_bounds = array<i64: 1, 2048, 2048>}, {transform_indices = @transform_5, window_bounds = array<i64: 1, 1, 2048>}, {transform_indices = @transform_6, window_bounds = array<i64: 512, 2048>}]} {
    %get3A = arith.constant 0 : index
    %get3A_0 = arith.constant 0 : index
    %get3A_1 = vector.load %arg6[%get3A, %get3A_0] : memref<512x2048xbf16, #tpu.memory_space<vmem>>, vector<512x2048xbf16>
    %get3A_2 = arith.constant 0 : index
    %get3A_3 = arith.constant 0 : index
    %get3A_4 = arith.constant 0 : index
    %get3A_5 = vector.load %arg7[%get3A_2, %get3A_3, %get3A_4] : memref<1x2048x2048xi32, #tpu.memory_space<vmem>>, vector<1x2048x2048xi32>
    %get3A_6 = vector.shape_cast %get3A_5 : vector<1x2048x2048xi32> to vector<2048x2048xi32>
    %shift_left3A = arith.constant 16 : i32
    %shift_left3A_7 = vector.broadcast %shift_left3A : i32 to vector<2048x2048xi32>
    %shift_left3A_8 = arith.shli %get3A_6, %shift_left3A_7 : vector<2048x2048xi32>
    %bitcast_convert_type3A = tpu.bitcast %shift_left3A_8 : vector<2048x2048xi32> -> vector<2048x2048xf32>
    %convert_element_type3A = arith.truncf %bitcast_convert_type3A : vector<2048x2048xf32> to vector<2048x2048xbf16>
    %and3A = arith.constant -65536 : i32
    %and3A_9 = vector.broadcast %and3A : i32 to vector<2048x2048xi32>
    %and3A_10 = arith.andi %get3A_6, %and3A_9 : vector<2048x2048xi32>
    %bitcast_convert_type3A_11 = tpu.bitcast %and3A_10 : vector<2048x2048xi32> -> vector<2048x2048xf32>
    %convert_element_type3A_12 = arith.truncf %bitcast_convert_type3A_11 : vector<2048x2048xf32> to vector<2048x2048xbf16>
    %dot_general3A = arith.constant dense<0.000000e+00> : vector<512x2048xf32>
    %dot_general3A_13 = tpu.matmul %get3A_1, %convert_element_type3A, %dot_general3A {dimension_numbers = #tpu.dot_dimension_numbers<[1], [0], [0], [1], [0, 0, 1, 1], [], []>, transpose_lhs_hint = false} : vector<512x2048xbf16>, vector<2048x2048xbf16>, vector<512x2048xf32> -> vector<512x2048xf32>
    %get3A_14 = arith.constant 0 : index
    %get3A_15 = arith.constant 0 : index
    %get3A_16 = arith.constant 0 : index
    %get3A_17 = vector.load %arg8[%get3A_14, %get3A_15, %get3A_16] : memref<1x1x2048xf32, #tpu.memory_space<vmem>>, vector<1x1x2048xf32>
    %get3A_18 = vector.shape_cast %get3A_17 : vector<1x1x2048xf32> to vector<2048xf32>
    %broadcast_in_dim3A = vector.shape_cast %get3A_18 : vector<2048xf32> to vector<1x2048xf32>
    %add3A = vector.broadcast %broadcast_in_dim3A : vector<1x2048xf32> to vector<512x2048xf32>
    %add3A_19 = arith.addf %dot_general3A_13, %add3A : vector<512x2048xf32>
    %dot_general3A_20 = arith.constant dense<0.000000e+00> : vector<512x2048xf32>
    %dot_general3A_21 = tpu.matmul %get3A_1, %convert_element_type3A_12, %dot_general3A_20 {dimension_numbers = #tpu.dot_dimension_numbers<[1], [0], [0], [1], [0, 0, 1, 1], [], []>, transpose_lhs_hint = false} : vector<512x2048xbf16>, vector<2048x2048xbf16>, vector<512x2048xf32> -> vector<512x2048xf32>
    %get3A_22 = arith.constant 0 : index
    %get3A_23 = arith.constant 0 : index
    %get3A_24 = arith.constant 0 : index
    %get3A_25 = vector.load %arg9[%get3A_22, %get3A_23, %get3A_24] : memref<1x1x2048xf32, #tpu.memory_space<vmem>>, vector<1x1x2048xf32>
    %get3A_26 = vector.shape_cast %get3A_25 : vector<1x1x2048xf32> to vector<2048xf32>
    %broadcast_in_dim3A_27 = vector.shape_cast %get3A_26 : vector<2048xf32> to vector<1x2048xf32>
    %add3A_28 = vector.broadcast %broadcast_in_dim3A_27 : vector<1x2048xf32> to vector<512x2048xf32>
    %add3A_29 = arith.addf %dot_general3A_21, %add3A_28 : vector<512x2048xf32>
    %min3A = arith.constant 7.000000e+00 : f32
    %min3A_30 = vector.broadcast %min3A : f32 to vector<512x2048xf32>
    %min3A_31 = arith.minimumf %add3A_19, %min3A_30 : vector<512x2048xf32>
    %jit3A = arith.constant -7.000000e+00 : f32
    %jit3A_32 = arith.constant 7.000000e+00 : f32
    %max3A = vector.broadcast %jit3A : f32 to vector<512x2048xf32>
    %max3A_33 = arith.maximumf %max3A, %add3A_29 : vector<512x2048xf32>
    %min3A_34 = vector.broadcast %jit3A_32 : f32 to vector<512x2048xf32>
    %min3A_35 = arith.minimumf %min3A_34, %max3A_33 : vector<512x2048xf32>
    %mul3A = arith.constant 1.702000e+00 : f32
    %mul3A_36 = vector.broadcast %mul3A : f32 to vector<512x2048xf32>
    %mul3A_37 = arith.mulf %min3A_31, %mul3A_36 : vector<512x2048xf32>
    %logistic3A = arith.negf %mul3A_37 : vector<512x2048xf32>
    %logistic3A_38 = math.exp %logistic3A : vector<512x2048xf32>
    %logistic3A_39 = arith.constant 1.000000e+00 : f32
    %logistic3A_40 = vector.broadcast %logistic3A_39 : f32 to vector<512x2048xf32>
    %logistic3A_41 = arith.addf %logistic3A_40, %logistic3A_38 : vector<512x2048xf32>
    %logistic3A_42 = arith.divf %logistic3A_40, %logistic3A_41 : vector<512x2048xf32>
    %mul3A_43 = arith.mulf %min3A_31, %logistic3A_42 : vector<512x2048xf32>
    %add3A_44 = arith.constant 1.000000e+00 : f32
    %add3A_45 = vector.broadcast %add3A_44 : f32 to vector<512x2048xf32>
    %add3A_46 = arith.addf %min3A_35, %add3A_45 : vector<512x2048xf32>
    %mul3A_47 = arith.mulf %add3A_46, %mul3A_43 : vector<512x2048xf32>
    %convert_element_type3A_48 = arith.truncf %mul3A_47 : vector<512x2048xf32> to vector<512x2048xbf16>
    %get3A_49 = arith.constant 0 : index
    %get3A_50 = arith.constant 0 : index
    %get3A_51 = arith.constant 0 : index
    %get3A_52 = vector.load %arg10[%get3A_49, %get3A_50, %get3A_51] : memref<1x2048x2048xbf16, #tpu.memory_space<vmem>>, vector<1x2048x2048xbf16>
    %get3A_53 = vector.shape_cast %get3A_52 : vector<1x2048x2048xbf16> to vector<2048x2048xbf16>
    %dot_general3A_54 = arith.constant dense<0.000000e+00> : vector<512x2048xf32>
    %dot_general3A_55 = tpu.matmul %convert_element_type3A_48, %get3A_53, %dot_general3A_54 {dimension_numbers = #tpu.dot_dimension_numbers<[1], [0], [0], [1], [0, 0, 1, 1], [], []>, transpose_lhs_hint = false} : vector<512x2048xbf16>, vector<2048x2048xbf16>, vector<512x2048xf32> -> vector<512x2048xf32>
    %get3A_56 = arith.constant 0 : index
    %get3A_57 = arith.constant 0 : index
    %get3A_58 = arith.constant 0 : index
    %get3A_59 = vector.load %arg11[%get3A_56, %get3A_57, %get3A_58] : memref<1x1x2048xf32, #tpu.memory_space<vmem>>, vector<1x1x2048xf32>
    %get3A_60 = vector.shape_cast %get3A_59 : vector<1x1x2048xf32> to vector<2048xf32>
    %broadcast_in_dim3A_61 = vector.shape_cast %get3A_60 : vector<2048xf32> to vector<1x2048xf32>
    %add3A_62 = vector.broadcast %broadcast_in_dim3A_61 : vector<1x2048xf32> to vector<512x2048xf32>
    %add3A_63 = arith.addf %dot_general3A_55, %add3A_62 : vector<512x2048xf32>
    %get3A_64 = arith.index_cast %arg0 : i32 to index
    %get3A_65 = memref.load %arg2[%get3A_64] : memref<47xi32, #tpu.memory_space<smem>>
    %mul3A_66 = arith.constant 512 : i32
    %mul3A_67 = arith.muli %get3A_65, %mul3A_66 : i32
    %iota3A = tpu.iota {dimensions = array<i32: 0>} : vector<512x1xi32>
    %add3A_68 = vector.broadcast %mul3A_67 : i32 to vector<512x1xi32>
    %add3A_69 = arith.addi %add3A_68, %iota3A : vector<512x1xi32>
    %get3A_70 = arith.index_cast %arg0 : i32 to index
    %get3A_71 = memref.load %arg3[%get3A_70] : memref<47xi32, #tpu.memory_space<smem>>
    %ge3A = vector.broadcast %get3A_71 : i32 to vector<512x1xi32>
    %ge3A_72 = arith.cmpi sge, %add3A_69, %ge3A : vector<512x1xi32>
    %get3A_73 = arith.index_cast %arg0 : i32 to index
    %get3A_74 = memref.load %arg4[%get3A_73] : memref<47xi32, #tpu.memory_space<smem>>
    %lt3A = vector.broadcast %get3A_74 : i32 to vector<512x1xi32>
    %lt3A_75 = arith.cmpi slt, %add3A_69, %lt3A : vector<512x1xi32>
    %and3A_76 = arith.andi %ge3A_72, %lt3A_75 : vector<512x1xi1>
    %jit3A_77 = arith.constant 0.000000e+00 : f32
    %broadcast_in_dim3A_78 = vector.shape_cast %and3A_76 : vector<512x1xi1> to vector<512x1xi1>
    %broadcast_in_dim3A_79 = vector.broadcast %broadcast_in_dim3A_78 : vector<512x1xi1> to vector<512x2048xi1>
    %broadcast_in_dim3A_80 = vector.broadcast %jit3A_77 : f32 to vector<512x2048xf32>
    %select_n3A = arith.select %broadcast_in_dim3A_79, %add3A_63, %broadcast_in_dim3A_80 : vector<512x2048xi1>, vector<512x2048xf32>
    %convert_element_type3A_81 = arith.truncf %select_n3A : vector<512x2048xf32> to vector<512x2048xbf16>
    %get3A_82 = arith.index_cast %arg0 : i32 to index
    %get3A_83 = memref.load %arg5[%get3A_82] : memref<47xi32, #tpu.memory_space<smem>>
    %eq3A = arith.constant 1 : i32
    %eq3A_84 = arith.cmpi eq, %get3A_83, %eq3A : i32
    %convert_element_type3A_85 = arith.extui %eq3A_84 : i1 to i32
    %cond3A = arith.constant 0 : i32
    %cond3A_86 = arith.cmpi ne, %convert_element_type3A_85, %cond3A : i32
    scf.if %cond3A_86 {
      %swap3A = arith.constant 0 : index
      %swap3A_94 = arith.constant 0 : index
      %swap3A_95 = vector.load %arg12[%swap3A, %swap3A_94] : memref<512x2048xbf16, #tpu.memory_space<vmem>>, vector<512x2048xbf16>
      tpu.vector_store %arg12[%swap3A, %swap3A_94], %convert_element_type3A_81 {strides = array<i32>} : memref<512x2048xbf16, #tpu.memory_space<vmem>>, vector<512x2048xbf16>,
    } else {
    }
    %get3A_87 = arith.index_cast %arg0 : i32 to index
    %get3A_88 = memref.load %arg5[%get3A_87] : memref<47xi32, #tpu.memory_space<smem>>
    %eq3A_89 = arith.constant 0 : i32
    %eq3A_90 = arith.cmpi eq, %get3A_88, %eq3A_89 : i32
    %convert_element_type3A_91 = arith.extui %eq3A_90 : i1 to i32
    %cond3A_92 = arith.constant 0 : i32
    %cond3A_93 = arith.cmpi ne, %convert_element_type3A_91, %cond3A_92 : i32
    scf.if %cond3A_93 {
      %get3A_94 = arith.constant 0 : index
      %get3A_95 = arith.constant 0 : index
      %get3A_96 = vector.load %arg12[%get3A_94, %get3A_95] : memref<512x2048xbf16, #tpu.memory_space<vmem>>, vector<512x2048xbf16>
      %add3A_97 = arith.addf %get3A_96, %convert_element_type3A_81 : vector<512x2048xbf16>
      %swap3A = arith.constant 0 : index
      %swap3A_98 = arith.constant 0 : index
      %swap3A_99 = vector.load %arg12[%swap3A, %swap3A_98] : memref<512x2048xbf16, #tpu.memory_space<vmem>>, vector<512x2048xbf16>
      tpu.vector_store %arg12[%swap3A, %swap3A_98], %add3A_97 {strides = array<i32>} : memref<512x2048xbf16, #tpu.memory_space<vmem>>, vector<512x2048xbf16>,
    } else {
    }
    return
  }
  func.func @transform_0(%arg0: i32, %arg1: memref<47xi32, #tpu.memory_space<smem>>, %arg2: memref<47xi32, #tpu.memory_space<smem>>, %arg3: memref<47xi32, #tpu.memory_space<smem>>, %arg4: memref<47xi32, #tpu.memory_space<smem>>, %arg5: memref<47xi32, #tpu.memory_space<smem>>) -> (i32, i32) {
    %get3A = arith.index_cast %arg0 : i32 to index
    %get3A_0 = memref.load %arg2[%get3A] : memref<47xi32, #tpu.memory_space<smem>>
    %c0_i32 = arith.constant 0 : i32
    %c0_i32_1 = arith.constant 0 : i32
    return %get3A_0, %c0_i32 : i32, i32
  }
  func.func @transform_1(%arg0: i32, %arg1: memref<47xi32, #tpu.memory_space<smem>>, %arg2: memref<47xi32, #tpu.memory_space<smem>>, %arg3: memref<47xi32, #tpu.memory_space<smem>>, %arg4: memref<47xi32, #tpu.memory_space<smem>>, %arg5: memref<47xi32, #tpu.memory_space<smem>>) -> (i32, i32, i32) {
    %get3A = arith.index_cast %arg0 : i32 to index
    %get3A_0 = memref.load %arg1[%get3A] : memref<47xi32, #tpu.memory_space<smem>>
    %c0_i32 = arith.constant 0 : i32
    %c0_i32_1 = arith.constant 0 : i32
    %c0_i32_2 = arith.constant 0 : i32
    return %get3A_0, %c0_i32, %c0_i32_1 : i32, i32, i32
  }
  func.func @transform_2(%arg0: i32, %arg1: memref<47xi32, #tpu.memory_space<smem>>, %arg2: memref<47xi32, #tpu.memory_space<smem>>, %arg3: memref<47xi32, #tpu.memory_space<smem>>, %arg4: memref<47xi32, #tpu.memory_space<smem>>, %arg5: memref<47xi32, #tpu.memory_space<smem>>) -> (i32, i32, i32) {
    %get3A = arith.index_cast %arg0 : i32 to index
    %get3A_0 = memref.load %arg1[%get3A] : memref<47xi32, #tpu.memory_space<smem>>
    %c0_i32 = arith.constant 0 : i32
    %c0_i32_1 = arith.constant 0 : i32
    %c0_i32_2 = arith.constant 0 : i32
    return %get3A_0, %c0_i32, %c0_i32_1 : i32, i32, i32
  }
  func.func @transform_3(%arg0: i32, %arg1: memref<47xi32, #tpu.memory_space<smem>>, %arg2: memref<47xi32, #tpu.memory_space<smem>>, %arg3: memref<47xi32, #tpu.memory_space<smem>>, %arg4: memref<47xi32, #tpu.memory_space<smem>>, %arg5: memref<47xi32, #tpu.memory_space<smem>>) -> (i32, i32, i32) {
    %get3A = arith.index_cast %arg0 : i32 to index
    %get3A_0 = memref.load %arg1[%get3A] : memref<47xi32, #tpu.memory_space<smem>>
    %c0_i32 = arith.constant 0 : i32
    %c0_i32_1 = arith.constant 0 : i32
    %c0_i32_2 = arith.constant 0 : i32
    return %get3A_0, %c0_i32, %c0_i32_1 : i32, i32, i32
  }
  func.func @transform_4(%arg0: i32, %arg1: memref<47xi32, #tpu.memory_space<smem>>, %arg2: memref<47xi32, #tpu.memory_space<smem>>, %arg3: memref<47xi32, #tpu.memory_space<smem>>, %arg4: memref<47xi32, #tpu.memory_space<smem>>, %arg5: memref<47xi32, #tpu.memory_space<smem>>) -> (i32, i32, i32) {
    %get3A = arith.index_cast %arg0 : i32 to index
    %get3A_0 = memref.load %arg1[%get3A] : memref<47xi32, #tpu.memory_space<smem>>
    %c0_i32 = arith.constant 0 : i32
    %c0_i32_1 = arith.constant 0 : i32
    %c0_i32_2 = arith.constant 0 : i32
    return %get3A_0, %c0_i32, %c0_i32_1 : i32, i32, i32
  }
  func.func @transform_5(%arg0: i32, %arg1: memref<47xi32, #tpu.memory_space<smem>>, %arg2: memref<47xi32, #tpu.memory_space<smem>>, %arg3: memref<47xi32, #tpu.memory_space<smem>>, %arg4: memref<47xi32, #tpu.memory_space<smem>>, %arg5: memref<47xi32, #tpu.memory_space<smem>>) -> (i32, i32, i32) {
    %get3A = arith.index_cast %arg0 : i32 to index
    %get3A_0 = memref.load %arg1[%get3A] : memref<47xi32, #tpu.memory_space<smem>>
    %c0_i32 = arith.constant 0 : i32
    %c0_i32_1 = arith.constant 0 : i32
    %c0_i32_2 = arith.constant 0 : i32
    return %get3A_0, %c0_i32, %c0_i32_1 : i32, i32, i32
  }
  func.func @transform_6(%arg0: i32, %arg1: memref<47xi32, #tpu.memory_space<smem>>, %arg2: memref<47xi32, #tpu.memory_space<smem>>, %arg3: memref<47xi32, #tpu.memory_space<smem>>, %arg4: memref<47xi32, #tpu.memory_space<smem>>, %arg5: memref<47xi32, #tpu.memory_space<smem>>) -> (i32, i32) {
    %get3A = arith.index_cast %arg0 : i32 to index
    %get3A_0 = memref.load %arg2[%get3A] : memref<47xi32, #tpu.memory_space<smem>>
    %c0_i32 = arith.constant 0 : i32
    %c0_i32_1 = arith.constant 0 : i32
    return %get3A_0, %c0_i32 : i32, i32
  }
}

</mosaic_0001>

<sc_bundles>
// kernel: sparse-core-data-format-call.1.cloned.1.call-start
scs
called_computation.1_lowered:
.L_overlay_start_0:
0x0: {  	s1 =	sld [smem:$0x3FD9]  }
0x1: {  	s2 =	sld [smem:$0x3FFE];
	_ =	sdelay $0x1  }
0x2: {  	s3 =	srdreg.scid  }
0x3: {  	s0 =	sand.u32 $0x1, s3  }
0x4: {  	s17 =	sshll.u32 s0, $0xA;
	s1 =	sadd.s32 s2, s1  }
0x5: {  	s1 =	sadd.s32 s1, s17  }
0x6: {  	[smem:$0x3FC1] =	sst s1  }
0x7: {  	_ = 	snop  }
0x8: {  	(tm) =	ssettm $0x1  }
0x9: {  	s18 =	sld [smem:$0x3FFB];
	_ =	sdelay $0x3  }
0xa: {  	_ =	strace s18  }
0xb: {  	s1 =	sld [smem:$0x3FFC];
	_ =	sdelay $0x3  }
0xc: {  	_ =	strace s1  }
0xd: {  	s1 =	sld [smem:$0x3FFD];
	_ =	sdelay $0x3  }
0xe: {  	_ =	strace s1  }
0xf: {  	_ =	strace $0x8FFFFFFF  }
0x10: {  	s19 =	sld [smem:$0x3FDB];
	_ =	sdelay $0x1  }
0x11: {  	s20 =	simm.s32 $_scs_section_size  }
0x12: {  	s4 =	simm.s32 $_size__tile_overlayer_lowered;
	s5 =	simm.s32 $_tile_overlayer_lowered  }
0x13: {  	s23 =	simm.s32 $0x1BFF;
	s22 =	sshll.u32 s5, $0x1;
	s1 =	sadd.s32 s20, s19  }
0x14: {  	s6 =	simm.s32 $0x0;
	s21 =	sshll.u32 s4, $0x1;
	s4 =	sadd.s32 s22, s1  }
0x15: {  	[timem:s6], [sflag:s23] =	dma.local [hbm:s4], s21  }
0x16: {  	_ =	swait.ge [sflag:s23], s21  }
0x17: {  	s2 =	ssub.s32 $0x0, s21;
	[sflag:s23] =	ssyncset.done $0x0  }
0x18: {  	[sflag:s23] =	ssyncadd.s32 s2;
	_ =	sdelay $0x1  }
0x19: {  	s24 =	simm.s32 $0x1B8B  }
0x1a: {  	_ =	swait.ge [sflag:s24], $0x1  }
0x1b: {  	[sflag:s24] =	ssyncset.done $0x0  }
0x1c: {  	s26 =	simm.s32 $0x1B8E;
	s25 =	sld [smem:$0x3FFE];
	[sflag:s24] =	ssyncadd.s32 $0xFFFFFFFF  }
0x1d: {  	s27 =	simm.s32 $execute0_lowered;
	[smem:$0x3FD2] =	sst s26  }
0x1e: {  	s4 =	sshll.u32 s27, $0x1;
	_ =	strace $0x80000046;
	[dreg:$0x1] =	wrdreg $0xFFFFFFFF  }
0x1f: {  	s28 =	simm.s32 $_size_execute0_lowered;
	s1 =	sadd.s32 s1, s4;
	[dreg:$0x0] =	wrdreg $0x0  }
0x20: {  	s4 =	sshll.u32 s28, $0x1;
	[dreg:$0x2] =	wrdreg s1  }
0x21: {  	[dreg:$0x3] =	wrdreg s4  }
0x22: {  	[dreg:$0x4] =	wrdreg $0xC0  }
0x23: {  	_ =	task [dreg:s6], $0x5FFFF  }
0x24: {  	[dreg:$0x1] =	wrdreg $0xFFFFFFFF  }
0x25: {  	[dreg:$0x0] =	wrdreg $0x60  }
0x26: {  	[dreg:$0x2] =	wrdreg s25  }
0x27: {  	[dreg:$0x3] =	wrdreg $0x9  }
0x28: {  	_ =	task.clear_ibuf [dreg:s6], $0x4FFFF;
	_ =	strace $0x90000046  }
0x29: {  	s29 =	simm.s32 $0x9;
	_ =	strace $0x80000048  }
0x2a: {  	_ =	swait.ge [sflag:s29], $0x1  }
0x2b: {  	[sflag:s29] =	ssyncadd.s32 $0xFFFFFFFF  }
0x2c: {  	_ =	strace $0x90000048  }
0x2d: {  	_ =	sfence  }
0x2e: {  	s30 =	sld [smem:$0x0];
	_ =	sdelay $0x2  }
0x2f: {  	s31 =	sshll.u32 s3, $0xD;
	s3 =	sshrl.u32 s3, $0x2  }
0x30: {  	s2 =	sand.u32 $0x4000, s31;
	s1 =	sadd.s32 s3, s30  }
0x31: {  	s0 =	sor.u32 s2, s0;
	s1 =	sshll.u32 s1, $0x11  }
0x32: {  	s0 =	sor.u32 s1, s0  }
0x33: {  	s0 =	sadd.s32 $0x8F2B, s0  }
0x34: {  	[sflag:s0] =	ssyncadd.remote.s32 $0x1  }
0x35: {  	_ =	sfence.sel $0xFFFF  }
0x36: {  	[dreg:$0x0] =	wrdreg $0xFFFFFFFF;
	(pc) =	sbr.abs _section_cstart, $3  }
0x37: {  	[dreg:$0x1] =	wrdreg $0xFFFFFFFF  }
0x38: {  	_ =	task.clear_ibuf [dreg:s6], $0x2FFFF;
	_ =	strace $0x9FFFFFFF  }
0x39: {  	(tm) =	ssettm $0x7FFFFFFF  }
tec
execute0_lowered:
.L_overlay_start_1:
0x0: {  	(tag) =	ssettag $0x1  }
0x1: {  	s0 =	stileid.u32;
	s2 =	srdreg.scid  }
0x2: {  	s5 =	simm.s32 $0x1;
	s8 =	simm.s32 $0x2;
	s16 =	simm.s32 $0x0  }
0x3: {  	s9 =	simm.s32 $0x4000;
	s15 =	simm.s32 $0x0;
	s1 =	sshll.u32 s0, $0x7  }
0x4: {  	s14 =	simm.s32 $0x0;
	s10 =	simm.s32 $0x0;
	s3 =	ssub.s32 $0x800, s1  }
0x5: {  	s13 =	simm.s32 $0x0;
	s2 =	sand.u32 $0x1, s2;
	s4 =	sand.u32 $0x780, s3  }
0x6: {  	s6 =	ssub.s32 $0x10, s2;
	s11 =	smov.u32 s2;
	p0 =	sne.s32 s4, $0x0  }
0x7: {  	s3 =	sshrl.u32 s3, $0xB;
	s7 =	sshrl.u32 s6, $0x1;
	s5 =	simm.s32 @!p0 $0x0  }
.Ltmp0:
0x8: {  	s6 =	ssub.s32 s6, s7;
	s5 =	sadd.s32 s5, s3;
	(pc) =	sbr.rel .LBB1_1-.Ltmp0, $4  }
0x9: {  	s12 =	smov.u32 s1;
	s4 =	rddreg [dreg:$0x0];
	s7 =	smul.u32 s5, s6  }
0xa: {  	s3 =	rddreg [dreg:$0x1];
	_ =	strace $0x80000047;
	s6 =	simm.s32 $0x1  }
0xb: {  	p0 =	por $0x0, $0x0;
	[sflag:s6] =	ssyncpa.u1 $0x0;
	s7 =	sshll.u32 s7, $0x4  }
0xc: {  	s5 =	sadd.s32 $0x800000, s4;
	[sflag:s8] =	ssyncpa.u1 $0x0;
	s8 =	sor.u32 $0x1, s7  }
.LBB1_4:
0xd: {  	v5 =	vld [tilespmem:s19+$0xFFFFFFD0]  }
0xe: {  	[tilespmem:s20+$0x2040 ss:$0x81] =	vst.msk $0xffff, v1;
	v58 =	vld [tilespmem:s19+$0xFFFFFFE0]  }
0xf: {  	[tilespmem:s20+$0x2850 ss:$0x81] =	vst.msk $0xffff, v2;
	v59 =	vld [tilespmem:s19+$0xFFFFFFF0]  }
0x10: {  	s21 =	sshra.s32 s21, $0x2;
	[tilespmem:s20+$0x3060 ss:$0x81] =	vst.msk $0xffff, v3;
	v60 =	vld [tilespmem:s19+$0x0]  }
0x11: {  	[tilespmem:s20+$0x0 ss:$0x81] =	vst.msk $0xffff, v0;
	v61 =	vld [tilespmem:s19+$0x10];
	s18 =	sadd.s32 s21, s18  }
0x12: {  	s26 =	sshll.u32 s16, $0xB;
	v62 =	vld [tilespmem:s19+$0x20];
	[tilespmem:s18+$0x3870 ss:$0x81] =	vst.msk $0xffff, v4  }
0x13: {  	s27 =	sand.u32 $0x78, s14;
	s22 =	sshll.u32 s14, $0x3;
	v63 =	vld [tilespmem:s19+$0xFFFFFFC0];
	s29 =	sshll.u32 s16, $0x7;
	[tilespmem:s18+$0x810 ss:$0x81] =	vst.msk $0xffff, v5  }
0x14: {  	s15 =	sshll.u32 s15, $0x13;
	s20 =	sand.u32 $0x3FC000, s26;
	s28 =	sand.u32 $0x3FFC00, s22;
	[tilespmem:s18+$0x1020 ss:$0x81] =	vst.msk $0xffff, v58  }
0x15: {  	s31 =	sand.u32 $0x7, s14;
	s22 =	sand.u32 $0x400, s22;
	s19 =	sadd.s32 s28, s20;
	[tilespmem:s18+$0x1830 ss:$0x81] =	vst.msk $0xffff, v59  }
0x16: {  	s16 =	sand.u32 $0x380, s29;
	s30 =	sor.u32 s27, s22;
	s19 =	sshrl.u32 s19, $0x3;
	[tilespmem:s18+$0x2040 ss:$0x81] =	vst.msk $0xffff, v60  }
0x17: {  	s15 =	sadd.s32 s5, s15;
	s16 =	sor.u32 s16, s30;
	s19 =	sand.u32 $0x7FF00, s19;
	[tilespmem:s18+$0x2850 ss:$0x81] =	vst.msk $0xffff, v61  }
0x18: {  	s14 =	sshll.u32 s31, $0x12;
	s16 =	sshrl.u32 s16, $0x3;
	[tilespmem:s18+$0x3060 ss:$0x81] =	vst.msk $0xffff, v62;
	s15 =	sadd.s32 s19, s15  }
0x19: {  	s14 =	sor.u32 $0x400, s14;
	[tilespmem:s18+$0x0 ss:$0x81] =	vst.msk $0xffff, v63;
	s15 =	sadd.s32 s16, s15  }
0x1a: {  	[hbm4b:s15+s14] =	stream.strided.scatter [tilespmem:s17], [sflag:$0x2], $0x4000, s9, s14, $0x20;
	[tilespmem:$0x10100] =	vst v63  }
.LBB1_5:
0x1b: {  	s17 =	sadd.s32 $0x80, s10  }
0x1c: {  	s14 =	sadd.s32 $0x2, s11;
	s18 =	smov.u32 s11;
	p2 =	sgt.s32 s17, $0x7FF  }
0x1d: {  	s18 =	smov.u32 @p2 s14  }
0x1e: {  	s20 =	smov.u32 s12;
	s14 =	sadd.s32 $0x800, s12;
	p3 =	sgt.s32 s18, $0xF  }
0x1f: {  	s20 =	smov.u32 @p3 s14  }
0x20: {  	s17 =	simm.s32 @p2 $0x0;
	p2 =	sgt.s32 s20, $0x7FF  }
0x21: {  	p1 =	slt.u32 s13, $0x2;
	s20 =	smov.u32 @p2 s1;
	p2 =	sne.s32 s13, s8  }
.Ltmp1:
0x22: {  	s19 =	simm.s32 @!p1 $0x2;
	(pc) =	sbr.rel @!p2 .LBB1_6-.Ltmp1, $4  }
0x23: {  	s16 =	smov.u32 s10;
	s15 =	smov.u32 s11;
	_ =	swait.ge @!p1 [sflag:s19], $0x4000  }
0x24: {  	p0 =	por !p0, !p0;
	[sflag:s19] =	ssyncset.done @!p1 $0x0;
	s10 =	smov.u32 s17  }
0x25: {  	s18 =	smov.u32 @p3 s2;
	s14 =	smov.u32 s12;
	[sflag:s19] =	ssyncadd.s32 @!p1 $0xFFFFC000  }
0x26: {  	s11 =	smov.u32 s18;
	s13 =	sadd.s32 $0x1, s13;
	s12 =	smov.u32 s20  }
.LBB1_1:
0x27: {  	p1 =	sge.u32 s13, s7;
	s31 =	sadd.s32 $0xFFFFFFFF, s13  }
0x28: {  	s17 =	sxor.u32 @!p1 $0xFFFFFFFF, s13;
	s18 =	sand.u32 @!p1 $0x78, s10;
	s19 =	sshll.u32 @!p1 s11, $0xB  }
0x29: {  	s20 =	sshll.u32 @!p1 s11, $0x7;
	s21 =	sshll.u32 @!p1 s10, $0x3;
	s17 =	sshll.u32 @!p1 s17, $0xE  }
0x2a: {  	s19 =	sand.u32 @!p1 $0x4000, s19;
	s20 =	sand.u32 @!p1 $0x380, s20;
	s17 =	sand.u32 @!p1 $0x4000, s17  }
0x2b: {  	s19 =	sadd.s32 @!p1 s19, s21;
	s21 =	sand.u32 @!p1 $0x400, s21;
	s18 =	sor.u32 @!p1 s20, s18  }
0x2c: {  	s20 =	sshll.u32 @!p1 s12, $0xC;
	s18 =	sor.u32 @!p1 s21, s18;
	s19 =	sshrl.u32 @!p1 s19, $0x3  }
0x2d: {  	s20 =	sadd.s32 @!p1 s4, s20;
	s21 =	sand.u32 @!p1 $0x7, s10;
	s19 =	sand.u32 @!p1 $0xF00, s19  }
0x2e: {  	s18 =	sshrl.u32 @!p1 s18, $0x3;
	s19 =	sadd.s32 @!p1 s19, s20;
	s20 =	sshll.u32 @!p1 s21, $0x12  }
0x2f: {  	s18 =	sadd.s32 @!p1 s18, s19;
	s19 =	sor.u32 @!p1 $0x80, s20;
	s20 =	simm.s32 @!p1 $0x8000  }
0x30: {  	[tilespmem:s17], [sflag:$0x1] =	stream.strided.gather @!p1 [hbm4b:s18+s19], $0x4000, s20, s19, $0x38;
	[tilespmem:$0x10100] =	vst v63  }
0x31: {  	p1 =	sge.u32 s31, s7  }
.Ltmp2:
0x32: {  	_ = 	snop;
	(pc) =	sbr.rel @p1 .LBB1_5-.Ltmp2, $1  }
0x33: {  	_ =	sdelay $0x3  }
0x34: {  	s17 =	simm.s32 $0x1  }
0x35: {  	_ =	swait.ge [sflag:s6], $0x4000;
	s17 =	simm.s32 @!p0 $0x0  }
0x36: {  	[sflag:s6] =	ssyncset.done $0x0;
	s18 =	sshll.u32 s17, $0xE  }
0x37: {  	[sflag:s6] =	ssyncadd.s32 $0xFFFFC000;
	s19 =	sor.u32 $0x40, s18  }
0x38: {  	s17 =	smul.u32 $0x10200, s17;
	v0 =	vld [tilespmem:s19+$0x30]  }
0x39: {  	v3 =	vld [tilespmem:s19+$0xFFFFFFD0]  }
0x3a: {  	s17 =	sshrl.u32 s17, $0x2;
	v4 =	vld [tilespmem:s19+$0xFFFFFFE0]  }
0x3b: {  	v5 =	vld [tilespmem:s19+$0xFFFFFFF0];
	s18 =	sor.u32 $0x8000, s17  }
0x3c: {  	s31 =	sand.u32 $0x1, s13;
	v1 =	vld [tilespmem:s19+$0x0];
	s20 =	sadd.s32 $0x0, s18  }
0x3d: {  	v2 =	vld [tilespmem:s19+$0x10];
	s17 =	smul.u32 $0x10200, s31;
	[tilespmem:s20+$0x3870 ss:$0x81] =	vst.msk $0xffff, v0  }
0x3e: {  	[tilespmem:s20+$0x810 ss:$0x81] =	vst.msk $0xffff, v3;
	v3 =	vld [tilespmem:s19+$0x20]  }
0x3f: {  	s17 =	sshrl.u32 s17, $0x2;
	v0 =	vld [tilespmem:s19+$0xFFFFFFC0];
	[tilespmem:s20+$0x1020 ss:$0x81] =	vst.msk $0xffff, v4;
	s19 =	sadd.s32 $0x80, s19  }
0x40: {  	s21 =	simm.s32 $0x4;
	s22 =	simm.s32 $0x8;
	s17 =	sor.u32 $0x8000, s17;
	[tilespmem:s20+$0x1830 ss:$0x81] =	vst.msk $0xffff, v5;
	v4 =	vld [tilespmem:s19+$0x30]  }
.LBB1_3:
0x41: {  	p1 =	sne.s32 s22, $0x1FC;
	v5 =	vld [tilespmem:s19+$0xFFFFFFD0];
	[tilespmem:s20+$0x2040 ss:$0x81] =	vst.msk $0xffff, v1  }
0x42: {  	v6 =	vld [tilespmem:s19+$0xFFFFFFE0];
	[tilespmem:s20+$0x2850 ss:$0x81] =	vst.msk $0xffff, v2  }
0x43: {  	s23 =	sshra.s32 s21, $0x2;
	s21 =	smov.u32 s22;
	v7 =	vld [tilespmem:s19+$0xFFFFFFF0];
	[tilespmem:s20+$0x3060 ss:$0x81] =	vst.msk $0xffff, v3  }
.Ltmp3:
0x44: {  	v1 =	vld [tilespmem:s19+$0x0];
	[tilespmem:s20+$0x0 ss:$0x81] =	vst.msk $0xffff, v0;
	s20 =	sadd.s32 s23, s18;
	(pc) =	sbr.rel @p1 .LBB1_3-.Ltmp3, $4  }
0x45: {  	v2 =	vld [tilespmem:s19+$0x10];
	[tilespmem:s20+$0x3870 ss:$0x81] =	vst.msk $0xffff, v4  }
0x46: {  	[tilespmem:s20+$0x810 ss:$0x81] =	vst.msk $0xffff, v5;
	v3 =	vld [tilespmem:s19+$0x20]  }
0x47: {  	v0 =	vld [tilespmem:s19+$0xFFFFFFC0];
	[tilespmem:s20+$0x1020 ss:$0x81] =	vst.msk $0xffff, v6;
	s19 =	sadd.s32 $0x80, s19  }
0x48: {  	s22 =	sadd.s32 $0x4, s22;
	v4 =	vld [tilespmem:s19+$0x30];
	[tilespmem:s20+$0x1830 ss:$0x81] =	vst.msk $0xffff, v7  }
.Ltmp4:
0x49: {  	_ = 	snop;
	(pc) =	sbr.rel .LBB1_4-.Ltmp4, $1  }
0x4a: {  	_ =	sdelay $0x3  }
.LBB1_6:
0x4b: {  	_ =	sfence.sel $0x180000  }
0x4c: {  	s1 =	simm.s32 $0x1;
	[bflag:$0x0] =	sbarrier.arrive $0xFFFF  }
0x4d: {  	s31 =	simm.s32 $0x2;
	[sflag:s1] =	ssyncpa.u1 $0x1  }
0x4e: {  	[sflag:s31] =	ssyncpa.u1 $0x1  }
0x4f: {  	p0 =	sne.s32 s0, $0x0;
	_ =	strace $0x90000047  }
0x50: {  	s0 =	sadd.s32 @!p0 $0x100000, s3;
	[bflag:$0x2] =	sbarrier.arrive $0xFFFF  }
0x51: {  	[sflag:s0] =	ssyncadd.tile.s32 @!p0 $0x1;
	_ =	shalt  }
.Lfunc_end1:
_tile_overlayer_lowered:
.L_overlay_start_2:
0x52: {  	(tag) =	ssettag $0x2  }
0x53: {  	s0 =	rddreg [dreg:$0x0];
	s2 =	stileid.u32  }
0x54: {  	s1 =	rddreg [dreg:$0x1];
	p0 =	sne.s32 s2, $0x0  }
0x55: {  	s3 =	rddreg [dreg:$0x2];
	[bflag:$0x3] =	sbarrier.arrive $0xFFFF;
	s2 =	simm.s32 @!p0 $0x1C01  }
0x56: {  	[timem:s3], [sflag:s2] =	dma.local @!p0 [hbm:s0], s1  }
0x57: {  	s0 =	simm.s32 @!p0 $0x1  }
0x58: {  	_ =	swait.ge @!p0 [sflag:s0], s1  }
0x59: {  	s1 =	ssub.s32 @!p0 $0x0, s1;
	[sflag:s0] =	ssyncset.done @!p0 $0x0  }
0x5a: {  	[sflag:s0] =	ssyncadd.s32 @!p0 s1  }
0x5b: {  	[bflag:$0x3] =	sbarrier.arrive $0xFFFF  }
0x5c: {  	_ =	shalt  }

// kernel: sparse-core-data-format-call.cloned.1.call-start
scs
called_computation_lowered:
.L_overlay_start_0:
0x0: {  	s2 =	sld [smem:$0x3FD9]  }
0x1: {  	s3 =	sld [smem:$0x3FFE];
	_ =	sdelay $0x1  }
0x2: {  	s1 =	srdreg.scid  }
0x3: {  	s0 =	sand.u32 $0x1, s1  }
0x4: {  	s18 =	sshll.u32 s0, $0xA;
	s2 =	sadd.s32 s3, s2  }
0x5: {  	s2 =	sadd.s32 s2, s18  }
0x6: {  	[smem:$0x3FC1] =	sst s2  }
0x7: {  	_ = 	snop  }
0x8: {  	s2 =	sld [smem:$0x3FD0];
	(tm) =	ssettm $0x1  }
0x9: {  	s19 =	sld [smem:$0x3FFB];
	_ =	sdelay $0x3  }
0xa: {  	_ =	strace s19  }
0xb: {  	s3 =	sld [smem:$0x3FFC];
	_ =	sdelay $0x3  }
0xc: {  	_ =	strace s3  }
0xd: {  	s3 =	sld [smem:$0x3FFD];
	_ =	sdelay $0x3  }
0xe: {  	_ =	strace s3  }
0xf: {  	_ =	strace $0x8FFFFFFF  }
0x10: {  	s20 =	sld [smem:$0x3FDB];
	_ =	sdelay $0x1  }
0x11: {  	s4 =	simm.s32 $_scs_section_size  }
0x12: {  	s5 =	simm.s32 $_size__tile_overlayer_lowered;
	s6 =	simm.s32 $_tile_overlayer_lowered  }
0x13: {  	s23 =	simm.s32 $0x1BFF;
	s22 =	sshll.u32 s6, $0x1;
	s3 =	sadd.s32 s4, s20  }
0x14: {  	s7 =	simm.s32 $0x0;
	s21 =	sshll.u32 s5, $0x1;
	s5 =	sadd.s32 s22, s3  }
0x15: {  	[timem:s7], [sflag:s23] =	dma.local [hbm:s5], s21  }
0x16: {  	_ =	swait.ge [sflag:s23], s21  }
0x17: {  	s4 =	ssub.s32 $0x0, s21;
	[sflag:s23] =	ssyncset.done $0x0  }
0x18: {  	[sflag:s23] =	ssyncadd.s32 s4;
	_ =	sdelay $0x1  }
0x19: {  	s24 =	simm.s32 $0x1B8B  }
0x1a: {  	_ =	swait.ge [sflag:s24], $0x1  }
0x1b: {  	[sflag:s24] =	ssyncset.done $0x0  }
0x1c: {  	s26 =	simm.s32 $0x1B8E;
	s25 =	sld [smem:$0x3FFE];
	[sflag:s24] =	ssyncadd.s32 $0xFFFFFFFF  }
0x1d: {  	s27 =	simm.s32 $execute0_lowered;
	[smem:$0x3FD2] =	sst s26  }
0x1e: {  	s5 =	sshll.u32 s27, $0x1;
	_ =	strace $0x80000049;
	[dreg:$0x1] =	wrdreg $0xFFFFFFFF  }
0x1f: {  	s28 =	simm.s32 $_size_execute0_lowered;
	s3 =	sadd.s32 s3, s5;
	[dreg:$0x0] =	wrdreg $0x0  }
0x20: {  	s5 =	sshll.u32 s28, $0x1;
	[dreg:$0x2] =	wrdreg s3  }
0x21: {  	[dreg:$0x3] =	wrdreg s5  }
0x22: {  	[dreg:$0x4] =	wrdreg $0xC0  }
0x23: {  	_ =	task [dreg:s7], $0x5FFFF  }
0x24: {  	[dreg:$0x1] =	wrdreg $0xFFFFFFFF  }
0x25: {  	[dreg:$0x0] =	wrdreg $0x60  }
0x26: {  	[dreg:$0x2] =	wrdreg s25  }
0x27: {  	[dreg:$0x3] =	wrdreg s2  }
0x28: {  	[dreg:$0x4] =	wrdreg $0x9  }
0x29: {  	_ =	task.clear_ibuf [dreg:s7], $0x5FFFF;
	_ =	strace $0x90000049  }
0x2a: {  	s29 =	simm.s32 $0x9;
	_ =	strace $0x8000004B  }
0x2b: {  	_ =	swait.ge [sflag:s29], $0x1  }
0x2c: {  	[sflag:s29] =	ssyncadd.s32 $0xFFFFFFFF  }
0x2d: {  	_ =	strace $0x9000004B  }
0x2e: {  	_ =	sfence  }
0x2f: {  	s30 =	sld [smem:$0x0];
	_ =	sdelay $0x2  }
0x30: {  	s31 =	sshll.u32 s1, $0xD;
	s1 =	sshrl.u32 s1, $0x2  }
0x31: {  	s3 =	sand.u32 $0x4000, s31;
	s1 =	sadd.s32 s1, s30  }
0x32: {  	s0 =	sor.u32 s3, s0;
	s1 =	sshll.u32 s1, $0x11  }
0x33: {  	s0 =	sor.u32 s1, s0  }
0x34: {  	s0 =	sadd.s32 $0x8F2B, s0  }
0x35: {  	[sflag:s0] =	ssyncadd.remote.s32 $0x1  }
0x36: {  	_ =	sfence.sel $0xFFFF  }
0x37: {  	[dreg:$0x0] =	wrdreg $0xFFFFFFFF;
	(pc) =	sbr.abs _section_cstart, $3  }
0x38: {  	[dreg:$0x1] =	wrdreg $0xFFFFFFFF  }
0x39: {  	_ =	task.clear_ibuf [dreg:s7], $0x2FFFF;
	_ =	strace $0x9FFFFFFF  }
0x3a: {  	(tm) =	ssettm $0x7FFFFFFF  }
0x3b: {  	_ =	shalt  }
tec
execute0_lowered:
.L_overlay_start_1:
0x0: {  	(tag) =	ssettag $0x1  }
0x1: {  	s0 =	srdreg.scid  }
0x2: {  	s1 =	sshll.u32 s0, $0x4  }
0x3: {  	s2 =	rddreg [dreg:$0x0];
	s0 =	stileid.u32;
	s1 =	sand.u32 $0x10, s1  }
0x4: {  	s4 =	rddreg [dreg:$0x1];
	s1 =	sor.u32 s0, s1  }
0x5: {  	s7 =	simm.s32 $0x1;
	s8 =	simm.s32 $0x2;
	s3 =	sshll.u32 s1, $0x3  }
0x6: {  	s9 =	simm.s32 $0x0;
	s12 =	simm.s32 $0x0;
	s6 =	ssub.s32 $0x2000, s3  }
.Ltmp0:
0x7: {  	s11 =	simm.s32 $0x0;
	s5 =	sand.u32 $0xF8, s6;
	(pc) =	sbr.rel .LBB1_1-.Ltmp0, $4  }
0x8: {  	s1 =	rddreg [dreg:$0x2];
	_ =	strace $0x8000004A;
	p0 =	sne.s32 s5, $0x0  }
0x9: {  	s6 =	sshrl.u32 s6, $0x8;
	s5 =	simm.s32 $0x1;
	s7 =	simm.s32 @!p0 $0x0  }
0xa: {  	s10 =	smov.u32 s3;
	[sflag:s5] =	ssyncpa.u1 $0x0;
	s6 =	sadd.s32 s7, s6  }
0xb: {  	[sflag:s8] =	ssyncpa.u1 $0x0;
	s8 =	simm.s32 $0x0;
	s7 =	sadd.s32 $0x1, s6  }
.LBB1_7:
0xc: {  	s14 =	sadd.s32 $0x100, s10  }
0xd: {  	p1 =	sgt.s32 s14, $0x1FFF  }
0xe: {  	s14 =	smov.u32 @p1 s3;
	p1 =	sne.s32 s11, s7  }
.Ltmp1:
0xf: {  	p0 =	slt.u32 s11, $0x2;
	(pc) =	sbr.rel @!p1 .LBB1_8-.Ltmp1, $4  }
0x10: {  	s13 =	simm.s32 @!p0 $0x2  }
0x11: {  	s15 =	sadd.s32 $0x1, s11;
	_ =	swait.ge @!p0 [sflag:s13], $0x4000  }
0x12: {  	s12 =	smov.u32 s10;
	s9 =	sadd.s32 $0x4000, s9;
	[sflag:s13] =	ssyncset.done @!p0 $0x0  }
0x13: {  	s11 =	smov.u32 s15;
	s10 =	smov.u32 s14;
	[sflag:s13] =	ssyncadd.s32 @!p0 $0xFFFFC000  }
.LBB1_1:
0x14: {  	p0 =	sge.u32 s11, s6  }
0x15: {  	s13 =	sxor.u32 @!p0 $0xFFFFFFFF, s11  }
0x16: {  	s31 =	sadd.s32 $0xFFFFFFFF, s11;
	s14 =	sshll.u32 @!p0 s10, $0x8;
	s13 =	sshll.u32 @!p0 s13, $0xE  }
0x17: {  	s15 =	simm.s32 @!p0 $0x0;
	s14 =	sadd.s32 @!p0 s2, s14;
	s13 =	sand.u32 @!p0 $0x4000, s13  }
0x18: {  	[tilespmem:s13], [sflag:$0x1] =	stream.linear.gather @!p0 [hbm4b:s14+s15], $0x4000, $0x38;
	[tilespmem:$0x10000] =	vst v63  }
0x19: {  	p0 =	sge.u32 s31, s6  }
.Ltmp2:
0x1a: {  	_ = 	snop;
	(pc) =	sbr.rel @p0 .LBB1_7-.Ltmp2, $1  }
0x1b: {  	_ =	sdelay $0x3  }
0x1c: {  	s13 =	sand.u32 $0x4000, s9  }
0x1d: {  	_ =	swait.ge [sflag:s5], $0x4000;
	s16 =	sshll.u32 s11, $0xE;
	s14 =	sor.u32 $0x100, s13  }
0x1e: {  	s15 =	sor.u32 $0x8800, s13;
	[sflag:s5] =	ssyncset.done $0x0;
	s31 =	sand.u32 $0x4000, s16  }
0x1f: {  	s16 =	simm.s32 $0x0;
	[sflag:s5] =	ssyncadd.s32 $0xFFFFC000;
	s13 =	sor.u32 $0x8000, s31  }
.LBB1_3:
0x20: {  	v0 =	vld [tilespmem:s14+$0xF0]  }
0x21: {  	v1 =	vld [tilespmem:s14+$0xFFFFFF10]  }
0x22: {  	v2 =	vld [tilespmem:s14+$0xFFFFFF20]  }
0x23: {  	v3 =	vld [tilespmem:s14+$0xFFFFFF30]  }
0x24: {  	v4 =	vld [tilespmem:s14+$0xFFFFFF40]  }
0x25: {  	v5 =	vld [tilespmem:s14+$0xFFFFFF50];
	[tilespmem:s15+$0x470] =	vst v0  }
0x26: {  	[tilespmem:s15+$0xFFFFF810] =	vst v1;
	v0 =	vld [tilespmem:s14+$0xFFFFFF60]  }
0x27: {  	[tilespmem:s15+$0xFFFFF820] =	vst v2;
	v1 =	vld [tilespmem:s14+$0xFFFFFF70]  }
0x28: {  	[tilespmem:s15+$0xFFFFF830] =	vst v3;
	v2 =	vld [tilespmem:s14+$0xFFFFFF80]  }
0x29: {  	[tilespmem:s15+$0xFFFFF840] =	vst v4;
	v3 =	vld [tilespmem:s14+$0xFFFFFF90]  }
0x2a: {  	[tilespmem:s15+$0xFFFFF850] =	vst v5;
	v4 =	vld [tilespmem:s14+$0xFFFFFFA0]  }
0x2b: {  	v5 =	vld [tilespmem:s14+$0xA0];
	[tilespmem:s15+$0xFFFFF860] =	vst v0  }
0x2c: {  	v0 =	vld [tilespmem:s14+$0xFFFFFFB0];
	[tilespmem:s15+$0xFFFFF870] =	vst v1  }
0x2d: {  	v1 =	vld [tilespmem:s14+$0xFFFFFFC0];
	[tilespmem:s15+$0xFFFFFC00] =	vst v2  }
0x2e: {  	[tilespmem:s15+$0xFFFFFC10] =	vst v3;
	v3 =	vld [tilespmem:s14+$0xFFFFFFE0]  }
0x2f: {  	[tilespmem:s15+$0xFFFFFC20] =	vst v4;
	v4 =	vld [tilespmem:s14+$0xFFFFFFF0]  }
0x30: {  	v2 =	vld [tilespmem:s14+$0xFFFFFFD0];
	[tilespmem:s15+$0x420] =	vst v5  }
0x31: {  	[tilespmem:s15+$0xFFFFFC30] =	vst v0;
	v0 =	vld [tilespmem:s14+$0x0]  }
0x32: {  	[tilespmem:s15+$0xFFFFFC40] =	vst v1;
	v1 =	vld [tilespmem:s14+$0x10]  }
0x33: {  	[tilespmem:s15+$0xFFFFFC60] =	vst v3;
	v3 =	vld [tilespmem:s14+$0x30]  }
0x34: {  	[tilespmem:s15+$0xFFFFFC70] =	vst v4;
	v4 =	vld [tilespmem:s14+$0x40]  }
0x35: {  	[tilespmem:s15+$0xFFFFFC50] =	vst v2;
	v2 =	vld [tilespmem:s14+$0x20]  }
0x36: {  	[tilespmem:s15+$0x0] =	vst v0;
	v0 =	vld [tilespmem:s14+$0x50]  }
0x37: {  	[tilespmem:s15+$0x10] =	vst v1;
	v1 =	vld [tilespmem:s14+$0x60]  }
0x38: {  	[tilespmem:s15+$0x30] =	vst v3;
	v3 =	vld [tilespmem:s14+$0x80]  }
0x39: {  	[tilespmem:s15+$0x40] =	vst v4;
	v4 =	vld [tilespmem:s14+$0x90]  }
0x3a: {  	[tilespmem:s15+$0x20] =	vst v2;
	v2 =	vld [tilespmem:s14+$0x70]  }
0x3b: {  	[tilespmem:s15+$0x50] =	vst v0;
	v0 =	vld [tilespmem:s14+$0xB0]  }
0x3c: {  	[tilespmem:s15+$0x60] =	vst v1;
	v1 =	vld [tilespmem:s14+$0xC0]  }
0x3d: {  	[tilespmem:s15+$0x400] =	vst v3;
	v3 =	vld [tilespmem:s14+$0xD0]  }
0x3e: {  	[tilespmem:s15+$0x410] =	vst v4;
	v4 =	vld [tilespmem:s14+$0xE0]  }
0x3f: {  	s18 =	simm.s32 $0x0;
	s19 =	sadd.s32 $0x200, s14;
	s17 =	smov.u32 s15;
	[tilespmem:s15+$0x70] =	vst v2;
	v2 =	vld [tilespmem:s14+$0xFFFFFF00]  }
.LBB1_4:
0x40: {  	v5 =	vld [tilespmem:s19+$0xF0];
	s18 =	sadd.s32 $0x200, s18;
	[tilespmem:s17+$0x430] =	vst v0  }
0x41: {  	v0 =	vld [tilespmem:s19+$0xFFFFFF10];
	p0 =	slt.u32 s18, $0x600;
	[tilespmem:s17+$0x440] =	vst v1  }
0x42: {  	v1 =	vld [tilespmem:s19+$0xFFFFFF20];
	[tilespmem:s17+$0x450] =	vst v3  }
0x43: {  	v3 =	vld [tilespmem:s19+$0xFFFFFF30];
	[tilespmem:s17+$0x460] =	vst v4  }
0x44: {  	v4 =	vld [tilespmem:s19+$0xFFFFFF40];
	[tilespmem:s17+$0xFFFFF800] =	vst v2;
	s17 =	sadd.s32 $0x1000, s17  }
0x45: {  	v2 =	vld [tilespmem:s19+$0xFFFFFF50];
	[tilespmem:s17+$0x470] =	vst v5  }
0x46: {  	[tilespmem:s17+$0xFFFFF810] =	vst v0;
	v0 =	vld [tilespmem:s19+$0xFFFFFF60]  }
0x47: {  	[tilespmem:s17+$0xFFFFF820] =	vst v1;
	v1 =	vld [tilespmem:s19+$0xFFFFFF70]  }
0x48: {  	[tilespmem:s17+$0xFFFFF830] =	vst v3;
	v3 =	vld [tilespmem:s19+$0xFFFFFF80]  }
0x49: {  	[tilespmem:s17+$0xFFFFF840] =	vst v4;
	v4 =	vld [tilespmem:s19+$0xFFFFFF90]  }
0x4a: {  	[tilespmem:s17+$0xFFFFF850] =	vst v2;
	v2 =	vld [tilespmem:s19+$0xFFFFFFA0]  }
0x4b: {  	[tilespmem:s17+$0xFFFFF860] =	vst v0;
	v0 =	vld [tilespmem:s19+$0xFFFFFFB0]  }
0x4c: {  	[tilespmem:s17+$0xFFFFF870] =	vst v1;
	v1 =	vld [tilespmem:s19+$0xFFFFFFC0]  }
0x4d: {  	[tilespmem:s17+$0xFFFFFC00] =	vst v3;
	v3 =	vld [tilespmem:s19+$0xFFFFFFD0]  }
0x4e: {  	[tilespmem:s17+$0xFFFFFC10] =	vst v4;
	v4 =	vld [tilespmem:s19+$0xFFFFFFE0]  }
0x4f: {  	[tilespmem:s17+$0xFFFFFC20] =	vst v2;
	v2 =	vld [tilespmem:s19+$0xFFFFFFF0]  }
0x50: {  	[tilespmem:s17+$0xFFFFFC30] =	vst v0;
	v0 =	vld [tilespmem:s19+$0x0]  }
0x51: {  	[tilespmem:s17+$0xFFFFFC40] =	vst v1;
	v1 =	vld [tilespmem:s19+$0x10]  }
0x52: {  	[tilespmem:s17+$0xFFFFFC50] =	vst v3;
	v3 =	vld [tilespmem:s19+$0x20]  }
0x53: {  	[tilespmem:s17+$0xFFFFFC60] =	vst v4;
	v4 =	vld [tilespmem:s19+$0x30]  }
0x54: {  	[tilespmem:s17+$0xFFFFFC70] =	vst v2;
	v2 =	vld [tilespmem:s19+$0x40]  }
0x55: {  	[tilespmem:s17+$0x0] =	vst v0;
	v0 =	vld [tilespmem:s19+$0x50]  }
0x56: {  	[tilespmem:s17+$0x10] =	vst v1;
	v1 =	vld [tilespmem:s19+$0x60]  }
0x57: {  	[tilespmem:s17+$0x20] =	vst v3;
	v3 =	vld [tilespmem:s19+$0x70]  }
0x58: {  	[tilespmem:s17+$0x30] =	vst v4;
	v4 =	vld [tilespmem:s19+$0x80]  }
0x59: {  	[tilespmem:s17+$0x40] =	vst v2;
	v2 =	vld [tilespmem:s19+$0x90]  }
0x5a: {  	[tilespmem:s17+$0x50] =	vst v0;
	v5 =	vld [tilespmem:s19+$0xA0]  }
.Ltmp3:
0x5b: {  	[tilespmem:s17+$0x60] =	vst v1;
	v0 =	vld [tilespmem:s19+$0xB0];
	(pc) =	sbr.rel @p0 .LBB1_4-.Ltmp3, $4  }
0x5c: {  	[tilespmem:s17+$0x70] =	vst v3;
	v1 =	vld [tilespmem:s19+$0xC0]  }
0x5d: {  	[tilespmem:s17+$0x400] =	vst v4;
	v3 =	vld [tilespmem:s19+$0xD0]  }
0x5e: {  	[tilespmem:s17+$0x410] =	vst v2;
	v4 =	vld [tilespmem:s19+$0xE0]  }
0x5f: {  	v2 =	vld [tilespmem:s19+$0xFFFFFF00];
	[tilespmem:s17+$0x420] =	vst v5;
	s19 =	sadd.s32 $0x200, s19  }
0x60: {  	s16 =	sadd.s32 $0x1, s16  }
0x61: {  	p0 =	sne.s32 s16, $0x8  }
.Ltmp4:
0x62: {  	[tilespmem:s17+$0x430] =	vst v0;
	(pc) =	sbr.rel @p0 .LBB1_3-.Ltmp4, $4  }
0x63: {  	[tilespmem:s17+$0x440] =	vst v1  }
0x64: {  	[tilespmem:s17+$0x450] =	vst v3  }
0x65: {  	[tilespmem:s17+$0x460] =	vst v4  }
0x66: {  	s14 =	sadd.s32 $0x800, s14;
	s15 =	sadd.s32 $0x80, s15;
	[tilespmem:s17+$0xFFFFF800] =	vst v2  }
.Ltmp5:
0x67: {  	s14 =	sshll.u32 s12, $0x4;
	(pc) =	sbr.rel .LBB1_7-.Ltmp5, $4  }
0x68: {  	s31 =	sshll.u32 s12, $0x8;
	s14 =	sand.u32 $0x70, s14  }
0x69: {  	s12 =	sand.u32 $0x1FF800, s31;
	s14 =	sadd.s32 s4, s14  }
0x6a: {  	s12 =	sadd.s32 s12, s14  }
0x6b: {  	[hbm4b:s12+s8] =	stream.linear.scatter [tilespmem:s13], [sflag:$0x2], $0x4000, $0x38;
	[tilespmem:$0x10000] =	vst v63  }
.LBB1_8:
0x6c: {  	_ =	sfence.sel $0x180000  }
0x6d: {  	s2 =	simm.s32 $0x1;
	[bflag:$0x0] =	sbarrier.arrive $0xFFFF  }
0x6e: {  	s31 =	simm.s32 $0x2;
	[sflag:s2] =	ssyncpa.u1 $0x1  }
0x6f: {  	[sflag:s31] =	ssyncpa.u1 $0x1  }
0x70: {  	p0 =	sne.s32 s0, $0x0;
	_ =	strace $0x9000004A  }
0x71: {  	s0 =	sadd.s32 @!p0 $0x100000, s1;
	[bflag:$0x2] =	sbarrier.arrive $0xFFFF  }
0x72: {  	[sflag:s0] =	ssyncadd.tile.s32 @!p0 $0x1;
	_ =	shalt  }
.Lfunc_end1:
_tile_overlayer_lowered:
.L_overlay_start_2:
0x73: {  	(tag) =	ssettag $0x2  }
0x74: {  	s0 =	rddreg [dreg:$0x0];
	s2 =	stileid.u32  }
0x75: {  	s1 =	rddreg [dreg:$0x1];
	p0 =	sne.s32 s2, $0x0  }
0x76: {  	s3 =	rddreg [dreg:$0x2];
	[bflag:$0x3] =	sbarrier.arrive $0xFFFF;
	s2 =	simm.s32 @!p0 $0x1C01  }
0x77: {  	[timem:s3], [sflag:s2] =	dma.local @!p0 [hbm:s0], s1  }
0x78: {  	s0 =	simm.s32 @!p0 $0x1  }
0x79: {  	_ =	swait.ge @!p0 [sflag:s0], s1  }
0x7a: {  	s1 =	ssub.s32 @!p0 $0x0, s1;
	[sflag:s0] =	ssyncset.done @!p0 $0x0  }
0x7b: {  	[sflag:s0] =	ssyncadd.s32 @!p0 s1  }
0x7c: {  	[bflag:$0x3] =	sbarrier.arrive $0xFFFF  }
0x7d: {  	_ =	shalt  }

</sc_bundles>
